<compile_context>
chip_gen: v7x
topology: tpu7x:2x2x1
jax: 0.10.2.dev20260603
libtpu: 0.0.44.dev20260713+nightly
codegen_flags: <defaults>
</compile_context>

<pallas_src>
import functools

import jax
import jax.numpy as jnp
from jax import lax
from jax.experimental import pallas as pl
from jax.experimental.pallas import tpu as pltpu
from jax.experimental.pallas import tpu_sc as plsc

VOCAB = 1000000
DIM = 64
BATCH = 16384
HIST = 50

_B = BATCH * HIST

_info = plsc.get_sparse_core_info()
_NC, _NS = _info.num_cores, _info.num_subcores
_NW = _NC * _NS

_B_PER_W = _B // _NW
_CHUNK = 800
_N_CHUNK = _B_PER_W // _CHUNK
_N_OUTER = _N_CHUNK // 2

_mesh = plsc.VectorSubcoreMesh(core_axis_name="c", subcore_axis_name="s")


@functools.partial(
    pl.kernel,
    mesh=_mesh,
    out_type=jax.ShapeDtypeStruct((_B, DIM), jnp.float32),
    scratch_types=[
        pltpu.VMEM((_B_PER_W,), jnp.int32),
        pltpu.VMEM((_CHUNK, DIM), jnp.float32),
        pltpu.VMEM((_CHUNK, DIM), jnp.float32),
        pltpu.SemaphoreType.DMA,
        pltpu.SemaphoreType.DMA,
    ],
    compiler_params=pltpu.CompilerParams(use_tc_tiling_on_sc=False),
)
def _gather_kernel(table_hbm, idx_hbm, out_hbm, idx_v, rows0, rows1, sem0, sem1):
    wid = lax.axis_index("s") * _NC + lax.axis_index("c")
    base = wid * _B_PER_W

    pltpu.sync_copy(idx_hbm.at[pl.ds(base, _B_PER_W)], idx_v)

    def start_gather(s, rows, sem):
        pltpu.async_copy(table_hbm.at[idx_v.at[pl.ds(s * _CHUNK, _CHUNK)]],
                         rows, sem)

    def finish(s, rows, sem):
        pltpu.make_async_copy(
            table_hbm.at[idx_v.at[pl.ds(s * _CHUNK, _CHUNK)]], rows, sem
        ).wait()
        pltpu.sync_copy(rows, out_hbm.at[pl.ds(base + s * _CHUNK, _CHUNK)])

    start_gather(0, rows0, sem0)

    def outer(o, _):
        s0 = 2 * o
        start_gather(s0 + 1, rows1, sem1)
        finish(s0, rows0, sem0)
        start_gather(s0 + 2, rows0, sem0)
        finish(s0 + 1, rows1, sem1)
        return _

    lax.fori_loop(0, _N_OUTER - 1, outer, None)

    s0 = _N_CHUNK - 2
    start_gather(s0 + 1, rows1, sem1)
    finish(s0, rows0, sem0)
    finish(s0 + 1, rows1, sem1)



_K2_BW = 2048
_K2_NB = BATCH // _K2_BW


def _eye64():
    return (lax.broadcasted_iota(jnp.int32, (DIM, DIM), 0)
            == lax.broadcasted_iota(jnp.int32, (DIM, DIM), 1)).astype(jnp.float32)


def _k2_body(g_ref, o_ref):
    eye = _eye64()
    dn = (((0,), (1,)), ((), ()))
    o_ref[0, :, 0:_K2_BW // 2] = lax.dot_general(
        eye, g_ref[:, 0:DIM], dn, preferred_element_type=jnp.float32)
    o_ref[0, :, _K2_BW // 2:_K2_BW] = lax.dot_general(
        eye, g_ref[:, DIM:128], dn, preferred_element_type=jnp.float32)


_k2_call = pl.pallas_call(
    _k2_body,
    grid=(HIST, _K2_NB),
    in_specs=[pl.BlockSpec((_K2_BW // 2, 128),
                           lambda h, jb: (h * _K2_NB + jb, 0))],
    out_specs=pl.BlockSpec((1, DIM, _K2_BW), lambda h, jb: (h, 0, jb)),
    out_shape=jax.ShapeDtypeStruct((HIST, DIM, BATCH), jnp.float32),
)


def kernel(x, embedding):
    xperm = x.T.reshape(HIST, _K2_NB, 2, _K2_BW // 2)
    xperm = xperm.transpose(0, 1, 3, 2).reshape(_B)
    g = _gather_kernel(embedding, xperm)
    g2 = g.reshape(_B // 2, 128)
    outT = _k2_call(g2)
    return outT.transpose(2, 0, 1)

# --- scband reference (transcript-rebuilt; emitter-appended) ---
"""Pipeline reference for scband-embedding-layer-87119116632079 (READ-ONLY COPY).

The authoritative reference and input builder live on the scoring server;
editing this copy changes nothing except your own understanding.
"""

import jax, jax.numpy as jnp
import numpy as np
import math

VOCAB = 1000000
DIM = 64
BATCH = 16384
HIST = 50

def setup_inputs(seed: int = 0) -> dict:
    key = jax.random.key(seed)
    k_idx, k_emb = jax.random.split(key)
    x = jax.random.randint(k_idx, (BATCH, HIST), 0, VOCAB, dtype=jnp.int64 if jax.config.jax_enable_x64 else jnp.int32)
    # Kaiming uniform init with a=sqrt(5): bound = sqrt(6 / ((1 + a^2) * fan_in)), fan_in = DIM
    gain = math.sqrt(2.0 / (1 + 5.0))
    bound = gain * math.sqrt(3.0 / DIM)
    embedding = jax.random.uniform(k_emb, (VOCAB, DIM), dtype=jnp.float32, minval=-bound, maxval=bound)
    return {"x": x, "embedding": embedding}

def reference(x, embedding):
    # EmbeddingLayer.forward: return self.embedding[x]
    return jnp.take(embedding, x, axis=0)

if __name__ == "__main__":
    import jax
    _d = setup_inputs()
    print(jax.jit(kernel)(*tuple(_d.values())))

</pallas_src>

<mosaic_0001>
#map = affine_map<(d0, d1) -> (0, 0)>
#map1 = affine_map<(d0, d1) -> (0)>
module attributes {stable_mosaic.version = 14 : i64} {
  func.func @_gather_kernel(%arg0: i32, %arg1: i32, %arg2: memref<1000000x64xf32, #tpu.memory_space<hbm>>, %arg3: memref<819200xi32, #tpu.memory_space<hbm>>, %arg4: memref<819200x64xf32, #tpu.memory_space<hbm>>, %arg5: memref<25600xi32, #tpu.memory_space<vmem>>, %arg6: memref<800x64xf32, #tpu.memory_space<vmem>>, %arg7: memref<800x64xf32, #tpu.memory_space<vmem>>, %arg8: memref<!tpu.dma_semaphore, #tpu.memory_space<semaphore_mem>>, %arg9: memref<!tpu.dma_semaphore, #tpu.memory_space<semaphore_mem>>) attributes {dimension_semantics = [#tpu.dimension_semantics<core_parallel>, #tpu.dimension_semantics<subcore_parallel>], iteration_bounds = array<i64: 2, 16>, scalar_prefetch = 0 : i64, scratch_operands = 5 : i64, tpu.core_type = #tpu.core_type<sc_vector_subcore>, window_params = [{transform_indices = #map}, {transform_indices = #map1}, {transform_indices = #map}]} {
    %mul3A = arith.constant 2 : i32
    %mul3A_0 = arith.muli %arg1, %mul3A : i32
    %add3A = arith.addi %mul3A_0, %arg0 : i32
    %mul3A_1 = arith.constant 25600 : i32
    %mul3A_2 = arith.muli %add3A, %mul3A_1 : i32
    "tpu.region"() ({
      %run_scoped3A = tpu.sem_alloc : memref<!tpu.dma_semaphore, #tpu.memory_space<semaphore_mem>>
      %dma_start3A_29 = tpu.memref_slice %arg3[%mul3A_2] : memref<819200xi32, #tpu.memory_space<hbm>> -> memref<25600xi32, #tpu.memory_space<hbm>>
      %dma_start3A_30 = tpu.memref_slice %arg3[%mul3A_2] : memref<819200xi32, #tpu.memory_space<hbm>> -> memref<25600xi32, #tpu.memory_space<hbm>>
      tpu.enqueue_dma source(%dma_start3A_30 : memref<25600xi32, #tpu.memory_space<hbm>>) target(%arg5 : memref<25600xi32, #tpu.memory_space<vmem>>) target_semaphore(%run_scoped3A : memref<!tpu.dma_semaphore, #tpu.memory_space<semaphore_mem>>)
      %dma_wait3A_31 = tpu.memref_slice %arg3[%mul3A_2] : memref<819200xi32, #tpu.memory_space<hbm>> -> memref<25600xi32, #tpu.memory_space<hbm>>
      %dma_wait3A_32 = tpu.memref_slice %arg3[%mul3A_2] : memref<819200xi32, #tpu.memory_space<hbm>> -> memref<25600xi32, #tpu.memory_space<hbm>>
      tpu.wait_dma2 semaphore(%run_scoped3A : memref<!tpu.dma_semaphore, #tpu.memory_space<semaphore_mem>>) src(%dma_wait3A_32 : memref<25600xi32, #tpu.memory_space<hbm>>) dst(%arg5 : memref<25600xi32, #tpu.memory_space<vmem>>)
      tpu.yield
    }) : () -> ()
    %dma_start3A = arith.constant 0 : i32
    %dma_start3A_3 = tpu.memref_slice %arg5[%dma_start3A] : memref<25600xi32, #tpu.memory_space<vmem>> -> memref<800xi32, #tpu.memory_space<vmem>>
    %dma_start3A_4 = arith.constant 0 : i32
    %dma_start3A_5 = arith.constant 0 : i32
    %dma_start3A_6 = tpu.memref_slice %arg2[%dma_start3A_4, %dma_start3A_5] : memref<1000000x64xf32, #tpu.memory_space<hbm>> -> memref<1000000x64xf32, #tpu.memory_space<hbm>>
    tpu.enqueue_indirect_dma source(%dma_start3A_6 : memref<1000000x64xf32, #tpu.memory_space<hbm>>) target(%arg6 : memref<800x64xf32, #tpu.memory_space<vmem>>) offsets(%dma_start3A_3 : memref<800xi32, #tpu.memory_space<vmem>>) semaphore(%arg8 : memref<!tpu.dma_semaphore, #tpu.memory_space<semaphore_mem>>)
    %scan3A = arith.constant 0 : i32
    %scan3A_7 = arith.constant 15 : i32
    %scan3A_8 = arith.addi %scan3A, %scan3A_7 : i32
    %scan3A_9 = arith.constant 1 : i32
    scf.for %scan3A_29 = %scan3A to %scan3A_8 step %scan3A_9  : i32 {
      %mul3A_30 = arith.constant 2 : i32
      %mul3A_31 = arith.muli %mul3A_30, %scan3A_29 : i32
      %add3A_32 = arith.constant 1 : i32
      %add3A_33 = arith.addi %mul3A_31, %add3A_32 : i32
      %mul3A_34 = arith.constant 800 : i32
      %mul3A_35 = arith.muli %add3A_33, %mul3A_34 : i32
      %dma_start3A_36 = tpu.memref_slice %arg5[%mul3A_35] : memref<25600xi32, #tpu.memory_space<vmem>> -> memref<800xi32, #tpu.memory_space<vmem>>
      %dma_start3A_37 = arith.constant 0 : i32
      %dma_start3A_38 = arith.constant 0 : i32
      %dma_start3A_39 = tpu.memref_slice %arg2[%dma_start3A_37, %dma_start3A_38] : memref<1000000x64xf32, #tpu.memory_space<hbm>> -> memref<1000000x64xf32, #tpu.memory_space<hbm>>
      tpu.enqueue_indirect_dma source(%dma_start3A_39 : memref<1000000x64xf32, #tpu.memory_space<hbm>>) target(%arg7 : memref<800x64xf32, #tpu.memory_space<vmem>>) offsets(%dma_start3A_36 : memref<800xi32, #tpu.memory_space<vmem>>) semaphore(%arg9 : memref<!tpu.dma_semaphore, #tpu.memory_space<semaphore_mem>>)
      %mul3A_40 = arith.constant 800 : i32
      %mul3A_41 = arith.muli %mul3A_31, %mul3A_40 : i32
      %dma_wait3A_42 = tpu.memref_slice %arg5[%mul3A_41] : memref<25600xi32, #tpu.memory_space<vmem>> -> memref<800xi32, #tpu.memory_space<vmem>>
      %dma_wait3A_43 = arith.constant 0 : i32
      %dma_wait3A_44 = arith.constant 0 : i32
      %dma_wait3A_45 = tpu.memref_slice %arg2[%dma_wait3A_43, %dma_wait3A_44] : memref<1000000x64xf32, #tpu.memory_space<hbm>> -> memref<1000000x64xf32, #tpu.memory_space<hbm>>
      tpu.wait_indirect_dma semaphore(%arg8 : memref<!tpu.dma_semaphore, #tpu.memory_space<semaphore_mem>>) src(%dma_wait3A_45 : memref<1000000x64xf32, #tpu.memory_space<hbm>>) dst(%arg6 : memref<800x64xf32, #tpu.memory_space<vmem>>)
      %mul3A_46 = arith.constant 800 : i32
      %mul3A_47 = arith.muli %mul3A_31, %mul3A_46 : i32
      %add3A_48 = arith.addi %mul3A_2, %mul3A_47 : i32
      "tpu.region"() ({
        %run_scoped3A = tpu.sem_alloc : memref<!tpu.dma_semaphore, #tpu.memory_space<semaphore_mem>>
        %dma_start3A_68 = arith.constant 0 : i32
        %dma_start3A_69 = tpu.memref_slice %arg4[%add3A_48, %dma_start3A_68] : memref<819200x64xf32, #tpu.memory_space<hbm>> -> memref<800x64xf32, #tpu.memory_space<hbm>>
        %dma_start3A_70 = arith.constant 0 : i32
        %dma_start3A_71 = tpu.memref_slice %arg4[%add3A_48, %dma_start3A_70] : memref<819200x64xf32, #tpu.memory_space<hbm>> -> memref<800x64xf32, #tpu.memory_space<hbm>>
        tpu.enqueue_dma source(%arg6 : memref<800x64xf32, #tpu.memory_space<vmem>>) target(%dma_start3A_71 : memref<800x64xf32, #tpu.memory_space<hbm>>) target_semaphore(%run_scoped3A : memref<!tpu.dma_semaphore, #tpu.memory_space<semaphore_mem>>)
        %dma_wait3A_72 = arith.constant 0 : i32
        %dma_wait3A_73 = tpu.memref_slice %arg4[%add3A_48, %dma_wait3A_72] : memref<819200x64xf32, #tpu.memory_space<hbm>> -> memref<800x64xf32, #tpu.memory_space<hbm>>
        %dma_wait3A_74 = arith.constant 0 : i32
        %dma_wait3A_75 = tpu.memref_slice %arg4[%add3A_48, %dma_wait3A_74] : memref<819200x64xf32, #tpu.memory_space<hbm>> -> memref<800x64xf32, #tpu.memory_space<hbm>>
        tpu.wait_dma2 semaphore(%run_scoped3A : memref<!tpu.dma_semaphore, #tpu.memory_space<semaphore_mem>>) src(%arg6 : memref<800x64xf32, #tpu.memory_space<vmem>>) dst(%dma_wait3A_75 : memref<800x64xf32, #tpu.memory_space<hbm>>)
        tpu.yield
      }) : () -> ()
      %add3A_49 = arith.constant 2 : i32
      %add3A_50 = arith.addi %mul3A_31, %add3A_49 : i32
      %mul3A_51 = arith.constant 800 : i32
      %mul3A_52 = arith.muli %add3A_50, %mul3A_51 : i32
      %dma_start3A_53 = tpu.memref_slice %arg5[%mul3A_52] : memref<25600xi32, #tpu.memory_space<vmem>> -> memref<800xi32, #tpu.memory_space<vmem>>
      %dma_start3A_54 = arith.constant 0 : i32
      %dma_start3A_55 = arith.constant 0 : i32
      %dma_start3A_56 = tpu.memref_slice %arg2[%dma_start3A_54, %dma_start3A_55] : memref<1000000x64xf32, #tpu.memory_space<hbm>> -> memref<1000000x64xf32, #tpu.memory_space<hbm>>
      tpu.enqueue_indirect_dma source(%dma_start3A_56 : memref<1000000x64xf32, #tpu.memory_space<hbm>>) target(%arg6 : memref<800x64xf32, #tpu.memory_space<vmem>>) offsets(%dma_start3A_53 : memref<800xi32, #tpu.memory_space<vmem>>) semaphore(%arg8 : memref<!tpu.dma_semaphore, #tpu.memory_space<semaphore_mem>>)
      %add3A_57 = arith.constant 1 : i32
      %add3A_58 = arith.addi %mul3A_31, %add3A_57 : i32
      %mul3A_59 = arith.constant 800 : i32
      %mul3A_60 = arith.muli %add3A_58, %mul3A_59 : i32
      %dma_wait3A_61 = tpu.memref_slice %arg5[%mul3A_60] : memref<25600xi32, #tpu.memory_space<vmem>> -> memref<800xi32, #tpu.memory_space<vmem>>
      %dma_wait3A_62 = arith.constant 0 : i32
      %dma_wait3A_63 = arith.constant 0 : i32
      %dma_wait3A_64 = tpu.memref_slice %arg2[%dma_wait3A_62, %dma_wait3A_63] : memref<1000000x64xf32, #tpu.memory_space<hbm>> -> memref<1000000x64xf32, #tpu.memory_space<hbm>>
      tpu.wait_indirect_dma semaphore(%arg9 : memref<!tpu.dma_semaphore, #tpu.memory_space<semaphore_mem>>) src(%dma_wait3A_64 : memref<1000000x64xf32, #tpu.memory_space<hbm>>) dst(%arg7 : memref<800x64xf32, #tpu.memory_space<vmem>>)
      %mul3A_65 = arith.constant 800 : i32
      %mul3A_66 = arith.muli %add3A_58, %mul3A_65 : i32
      %add3A_67 = arith.addi %mul3A_2, %mul3A_66 : i32
      "tpu.region"() ({
        %run_scoped3A = tpu.sem_alloc : memref<!tpu.dma_semaphore, #tpu.memory_space<semaphore_mem>>
        %dma_start3A_68 = arith.constant 0 : i32
        %dma_start3A_69 = tpu.memref_slice %arg4[%add3A_67, %dma_start3A_68] : memref<819200x64xf32, #tpu.memory_space<hbm>> -> memref<800x64xf32, #tpu.memory_space<hbm>>
        %dma_start3A_70 = arith.constant 0 : i32
        %dma_start3A_71 = tpu.memref_slice %arg4[%add3A_67, %dma_start3A_70] : memref<819200x64xf32, #tpu.memory_space<hbm>> -> memref<800x64xf32, #tpu.memory_space<hbm>>
        tpu.enqueue_dma source(%arg7 : memref<800x64xf32, #tpu.memory_space<vmem>>) target(%dma_start3A_71 : memref<800x64xf32, #tpu.memory_space<hbm>>) target_semaphore(%run_scoped3A : memref<!tpu.dma_semaphore, #tpu.memory_space<semaphore_mem>>)
        %dma_wait3A_72 = arith.constant 0 : i32
        %dma_wait3A_73 = tpu.memref_slice %arg4[%add3A_67, %dma_wait3A_72] : memref<819200x64xf32, #tpu.memory_space<hbm>> -> memref<800x64xf32, #tpu.memory_space<hbm>>
        %dma_wait3A_74 = arith.constant 0 : i32
        %dma_wait3A_75 = tpu.memref_slice %arg4[%add3A_67, %dma_wait3A_74] : memref<819200x64xf32, #tpu.memory_space<hbm>> -> memref<800x64xf32, #tpu.memory_space<hbm>>
        tpu.wait_dma2 semaphore(%run_scoped3A : memref<!tpu.dma_semaphore, #tpu.memory_space<semaphore_mem>>) src(%arg7 : memref<800x64xf32, #tpu.memory_space<vmem>>) dst(%dma_wait3A_75 : memref<800x64xf32, #tpu.memory_space<hbm>>)
        tpu.yield
      }) : () -> ()
    }
    %scan3A_10 = arith.constant 15 : i32
    %dma_start3A_11 = arith.constant 24800 : i32
    %dma_start3A_12 = tpu.memref_slice %arg5[%dma_start3A_11] : memref<25600xi32, #tpu.memory_space<vmem>> -> memref<800xi32, #tpu.memory_space<vmem>>
    %dma_start3A_13 = arith.constant 0 : i32
    %dma_start3A_14 = arith.constant 0 : i32
    %dma_start3A_15 = tpu.memref_slice %arg2[%dma_start3A_13, %dma_start3A_14] : memref<1000000x64xf32, #tpu.memory_space<hbm>> -> memref<1000000x64xf32, #tpu.memory_space<hbm>>
    tpu.enqueue_indirect_dma source(%dma_start3A_15 : memref<1000000x64xf32, #tpu.memory_space<hbm>>) target(%arg7 : memref<800x64xf32, #tpu.memory_space<vmem>>) offsets(%dma_start3A_12 : memref<800xi32, #tpu.memory_space<vmem>>) semaphore(%arg9 : memref<!tpu.dma_semaphore, #tpu.memory_space<semaphore_mem>>)
    %dma_wait3A = arith.constant 24000 : i32
    %dma_wait3A_16 = tpu.memref_slice %arg5[%dma_wait3A] : memref<25600xi32, #tpu.memory_space<vmem>> -> memref<800xi32, #tpu.memory_space<vmem>>
    %dma_wait3A_17 = arith.constant 0 : i32
    %dma_wait3A_18 = arith.constant 0 : i32
    %dma_wait3A_19 = tpu.memref_slice %arg2[%dma_wait3A_17, %dma_wait3A_18] : memref<1000000x64xf32, #tpu.memory_space<hbm>> -> memref<1000000x64xf32, #tpu.memory_space<hbm>>
    tpu.wait_indirect_dma semaphore(%arg8 : memref<!tpu.dma_semaphore, #tpu.memory_space<semaphore_mem>>) src(%dma_wait3A_19 : memref<1000000x64xf32, #tpu.memory_space<hbm>>) dst(%arg6 : memref<800x64xf32, #tpu.memory_space<vmem>>)
    %add3A_20 = arith.constant 24000 : i32
    %add3A_21 = arith.addi %mul3A_2, %add3A_20 : i32
    "tpu.region"() ({
      %run_scoped3A = tpu.sem_alloc : memref<!tpu.dma_semaphore, #tpu.memory_space<semaphore_mem>>
      %dma_start3A_29 = arith.constant 0 : i32
      %dma_start3A_30 = tpu.memref_slice %arg4[%add3A_21, %dma_start3A_29] : memref<819200x64xf32, #tpu.memory_space<hbm>> -> memref<800x64xf32, #tpu.memory_space<hbm>>
      %dma_start3A_31 = arith.constant 0 : i32
      %dma_start3A_32 = tpu.memref_slice %arg4[%add3A_21, %dma_start3A_31] : memref<819200x64xf32, #tpu.memory_space<hbm>> -> memref<800x64xf32, #tpu.memory_space<hbm>>
      tpu.enqueue_dma source(%arg6 : memref<800x64xf32, #tpu.memory_space<vmem>>) target(%dma_start3A_32 : memref<800x64xf32, #tpu.memory_space<hbm>>) target_semaphore(%run_scoped3A : memref<!tpu.dma_semaphore, #tpu.memory_space<semaphore_mem>>)
      %dma_wait3A_33 = arith.constant 0 : i32
      %dma_wait3A_34 = tpu.memref_slice %arg4[%add3A_21, %dma_wait3A_33] : memref<819200x64xf32, #tpu.memory_space<hbm>> -> memref<800x64xf32, #tpu.memory_space<hbm>>
      %dma_wait3A_35 = arith.constant 0 : i32
      %dma_wait3A_36 = tpu.memref_slice %arg4[%add3A_21, %dma_wait3A_35] : memref<819200x64xf32, #tpu.memory_space<hbm>> -> memref<800x64xf32, #tpu.memory_space<hbm>>
      tpu.wait_dma2 semaphore(%run_scoped3A : memref<!tpu.dma_semaphore, #tpu.memory_space<semaphore_mem>>) src(%arg6 : memref<800x64xf32, #tpu.memory_space<vmem>>) dst(%dma_wait3A_36 : memref<800x64xf32, #tpu.memory_space<hbm>>)
      tpu.yield
    }) : () -> ()
    %dma_wait3A_22 = arith.constant 24800 : i32
    %dma_wait3A_23 = tpu.memref_slice %arg5[%dma_wait3A_22] : memref<25600xi32, #tpu.memory_space<vmem>> -> memref<800xi32, #tpu.memory_space<vmem>>
    %dma_wait3A_24 = arith.constant 0 : i32
    %dma_wait3A_25 = arith.constant 0 : i32
    %dma_wait3A_26 = tpu.memref_slice %arg2[%dma_wait3A_24, %dma_wait3A_25] : memref<1000000x64xf32, #tpu.memory_space<hbm>> -> memref<1000000x64xf32, #tpu.memory_space<hbm>>
    tpu.wait_indirect_dma semaphore(%arg9 : memref<!tpu.dma_semaphore, #tpu.memory_space<semaphore_mem>>) src(%dma_wait3A_26 : memref<1000000x64xf32, #tpu.memory_space<hbm>>) dst(%arg7 : memref<800x64xf32, #tpu.memory_space<vmem>>)
    %add3A_27 = arith.constant 24800 : i32
    %add3A_28 = arith.addi %mul3A_2, %add3A_27 : i32
    "tpu.region"() ({
      %run_scoped3A = tpu.sem_alloc : memref<!tpu.dma_semaphore, #tpu.memory_space<semaphore_mem>>
      %dma_start3A_29 = arith.constant 0 : i32
      %dma_start3A_30 = tpu.memref_slice %arg4[%add3A_28, %dma_start3A_29] : memref<819200x64xf32, #tpu.memory_space<hbm>> -> memref<800x64xf32, #tpu.memory_space<hbm>>
      %dma_start3A_31 = arith.constant 0 : i32
      %dma_start3A_32 = tpu.memref_slice %arg4[%add3A_28, %dma_start3A_31] : memref<819200x64xf32, #tpu.memory_space<hbm>> -> memref<800x64xf32, #tpu.memory_space<hbm>>
      tpu.enqueue_dma source(%arg7 : memref<800x64xf32, #tpu.memory_space<vmem>>) target(%dma_start3A_32 : memref<800x64xf32, #tpu.memory_space<hbm>>) target_semaphore(%run_scoped3A : memref<!tpu.dma_semaphore, #tpu.memory_space<semaphore_mem>>)
      %dma_wait3A_33 = arith.constant 0 : i32
      %dma_wait3A_34 = tpu.memref_slice %arg4[%add3A_28, %dma_wait3A_33] : memref<819200x64xf32, #tpu.memory_space<hbm>> -> memref<800x64xf32, #tpu.memory_space<hbm>>
      %dma_wait3A_35 = arith.constant 0 : i32
      %dma_wait3A_36 = tpu.memref_slice %arg4[%add3A_28, %dma_wait3A_35] : memref<819200x64xf32, #tpu.memory_space<hbm>> -> memref<800x64xf32, #tpu.memory_space<hbm>>
      tpu.wait_dma2 semaphore(%run_scoped3A : memref<!tpu.dma_semaphore, #tpu.memory_space<semaphore_mem>>) src(%arg7 : memref<800x64xf32, #tpu.memory_space<vmem>>) dst(%dma_wait3A_36 : memref<800x64xf32, #tpu.memory_space<hbm>>)
      tpu.yield
    }) : () -> ()
    return
  }
}

module attributes {stable_mosaic.version = 14 : i64} {
  func.func @_k2_body(%arg0: i32, %arg1: i32, %arg2: memref<1024x128xf32, #tpu.memory_space<vmem>>, %arg3: memref<1x64x2048xf32, #tpu.memory_space<vmem>>) attributes {dimension_semantics = [#tpu.dimension_semantics<arbitrary>, #tpu.dimension_semantics<arbitrary>], iteration_bounds = array<i64: 50, 8>, scalar_prefetch = 0 : i64, scratch_operands = 0 : i64, tpu.core_type = #tpu.core_type<tc>, window_params = [{transform_indices = @transform_0, window_bounds = array<i64: 1024, 128>}, {transform_indices = @transform_1, window_bounds = array<i64: 1, 64, 2048>}]} {
    %iota3A = tpu.iota {dimensions = array<i32: 0>} : vector<64x64xi32>
    %iota3A_0 = tpu.iota {dimensions = array<i32: 1>} : vector<64x64xi32>
    %eq3A = arith.cmpi eq, %iota3A, %iota3A_0 : vector<64x64xi32>
    %convert_element_type3A = arith.extui %eq3A : vector<64x64xi1> to vector<64x64xi32>
    %convert_element_type3A_1 = arith.sitofp %convert_element_type3A : vector<64x64xi32> to vector<64x64xf32>
    %get3A = arith.constant 0 : index
    %get3A_2 = arith.constant 0 : index
    %get3A_3 = vector.load %arg2[%get3A, %get3A_2] : memref<1024x128xf32, #tpu.memory_space<vmem>>, vector<1024x64xf32>
    %dot_general3A = arith.constant dense<0.000000e+00> : vector<64x1024xf32>
    %dot_general3A_4 = tpu.matmul %convert_element_type3A_1, %get3A_3, %dot_general3A {dimension_numbers = #tpu.dot_dimension_numbers<[0], [1], [1], [0], [0, 1, 1, 0], [], []>, transpose_lhs_hint = false} : vector<64x64xf32>, vector<1024x64xf32>, vector<64x1024xf32> -> vector<64x1024xf32>
    %swap3A = arith.constant 0 : index
    %swap3A_5 = arith.constant 0 : index
    %swap3A_6 = arith.constant 0 : index
    %swap3A_7 = vector.load %arg3[%swap3A, %swap3A_5, %swap3A_6] : memref<1x64x2048xf32, #tpu.memory_space<vmem>>, vector<1x64x1024xf32>
    %swap3A_8 = vector.shape_cast %swap3A_7 : vector<1x64x1024xf32> to vector<64x1024xf32>
    %swap3A_9 = vector.shape_cast %dot_general3A_4 : vector<64x1024xf32> to vector<1x64x1024xf32>
    tpu.vector_store %arg3[%swap3A, %swap3A_5, %swap3A_6], %swap3A_9 {strides = array<i32>} : memref<1x64x2048xf32, #tpu.memory_space<vmem>>, vector<1x64x1024xf32>,
    %get3A_10 = arith.constant 0 : index
    %get3A_11 = arith.constant 64 : index
    %get3A_12 = vector.load %arg2[%get3A_10, %get3A_11] : memref<1024x128xf32, #tpu.memory_space<vmem>>, vector<1024x64xf32>
    %dot_general3A_13 = arith.constant dense<0.000000e+00> : vector<64x1024xf32>
    %dot_general3A_14 = tpu.matmul %convert_element_type3A_1, %get3A_12, %dot_general3A_13 {dimension_numbers = #tpu.dot_dimension_numbers<[0], [1], [1], [0], [0, 1, 1, 0], [], []>, transpose_lhs_hint = false} : vector<64x64xf32>, vector<1024x64xf32>, vector<64x1024xf32> -> vector<64x1024xf32>
    %swap3A_15 = arith.constant 0 : index
    %swap3A_16 = arith.constant 0 : index
    %swap3A_17 = arith.constant 1024 : index
    %swap3A_18 = vector.load %arg3[%swap3A_15, %swap3A_16, %swap3A_17] : memref<1x64x2048xf32, #tpu.memory_space<vmem>>, vector<1x64x1024xf32>
    %swap3A_19 = vector.shape_cast %swap3A_18 : vector<1x64x1024xf32> to vector<64x1024xf32>
    %swap3A_20 = vector.shape_cast %dot_general3A_14 : vector<64x1024xf32> to vector<1x64x1024xf32>
    tpu.vector_store %arg3[%swap3A_15, %swap3A_16, %swap3A_17], %swap3A_20 {strides = array<i32>} : memref<1x64x2048xf32, #tpu.memory_space<vmem>>, vector<1x64x1024xf32>,
    return
  }
  func.func @transform_0(%arg0: i32, %arg1: i32) -> (i32, i32) {
    %mul3A = arith.constant 8 : i32
    %mul3A_0 = arith.muli %arg0, %mul3A : i32
    %add3A = arith.addi %mul3A_0, %arg1 : i32
    %c0_i32 = arith.constant 0 : i32
    %c0_i32_1 = arith.constant 0 : i32
    return %add3A, %c0_i32 : i32, i32
  }
  func.func @transform_1(%arg0: i32, %arg1: i32) -> (i32, i32, i32) {
    %c0_i32 = arith.constant 0 : i32
    %c0_i32_0 = arith.constant 0 : i32
    return %arg0, %c0_i32, %arg1 : i32, i32, i32
  }
}

</mosaic_0001>

<sc_bundles>
// kernel: kernel.4.cloned.1.call-start
scs
__scs_entry_jumppad:
0x0: {  	(pc) =	sbr.rel $0x88, $3  }
0x1: {  	(tag) =	ssettag $0x0;
	lr =	simm.s32 $0x1  }
0x2: {  	[smem:$0x3F9F] =	sst lr;
	_ =	strace $0xD0000000  }
0x3: {  	_ = 	snop  }
0x4: {  	_ = 	snop  }
0x5: {  	_ = 	snop  }
0x6: {  	_ = 	snop  }
0x7: {  	_ = 	snop  }
__scs_overlays_trampoline_lowered:
0x8: {  	[smem:$0x3FAE] =	sst s0  }
0x9: {  	[smem:$0x3FAF] =	sst s1  }
0xa: {  	[smem:$0x3FB0] =	sst s2  }
0xb: {  	[smem:$0x3FB1] =	sst s3  }
0xc: {  	[smem:$0x3FB2] =	sst s4  }
0xd: {  	[smem:$0x3FB3] =	sst s5  }
0xe: {  	[smem:$0x3FB4] =	sst s6  }
0xf: {  	[smem:$0x3FB5] =	sst s7  }
0x10: {  	[smem:$0x3FB6] =	sst s8  }
0x11: {  	[smem:$0x3FB7] =	sst s9;
	s0 =	simm.s32 @!p0 $0x0  }
0x12: {  	s1 =	sld [smem:$0x3F9D];
	s0 =	simm.s32 @p0 $0x1  }
0x13: {  	[smem:$0x3FB8] =	sst s0;
	s0 =	simm.s32 @!p1 $0x0  }
0x14: {  	s2 =	sld [smem:$0x3F9C];
	s0 =	simm.s32 @p1 $0x1  }
0x15: {  	[smem:$0x3FB9] =	sst s0;
	s0 =	simm.s32 @!p2 $0x0  }
0x16: {  	s3 =	sld [smem:$0x3FDB];
	s0 =	simm.s32 @p2 $0x1  }
0x17: {  	s4 =	simm.s32 $0x1BF5;
	[smem:$0x3FBB] =	sst s0  }
0x18: {  	s0 =	sld [smem:$0x3F9E];
	_ =	swait.ge [sflag:s4], $0x0  }
0x19: {  	s7 =	sld [smem:$0x3F9F]  }
0x1a: {  	s8 =	sadd.s32 $0xFFFFE003, lr  }
0x1b: {  	s9 =	sadd.s32 $0xFFFFFEF7, lr;
	s5 =	simm.s32 $0xFFFFFFFF;
	p2 =	slt.u32 s8, $0xFFFFF086  }
0x1c: {  	p1 =	slt.u32 s9, $0xF7A;
	s5 =	simm.s32 @!p2 $0x0  }
0x1d: {  	s5 =	simm.s32 @p1 $0x1;
	p0 =	seq.s32 s7, s2  }
0x1e: {  	s7 =	smul.u32 @!p0 $0xF7A, s2;
	p2 =	seq.s32 @!p0 s5, $0x0  }
0x1f: {  	s9 =	smul.u32 $0xF7A, s1;
	s8 =	simm.s32 @!p0 $0x1BF5;
	p2 =	por !p2, p0  }
0x20: {  	[sflag:s8] =	ssyncset.s32 @!p0 $0xFFFFF086;
	s6 =	sadd.s32 @!p0 s3, s7;
	s7 =	simm.s32 @!p0 $0x108  }
0x21: {  	s3 =	sadd.s32 s3, s9;
	s6 =	sadd.s32 @!p0 $0x88, s6;
	s7 =	simm.s32 @p2 $0x1082  }
0x22: {  	[simem:s7], [sflag:s8] =	dma.local @!p0 [hbm:s6], $0xF7A  }
0x23: {  	s9 =	sor.u32 $0xD0000000, s2;
	s6 =	simm.s32 $0x108;
	_ =	swait.ge @!p0 [sflag:s8], $0x0  }
0x24: {  	s3 =	sadd.s32 $0x88, s3;
	s6 =	simm.s32 @!p1 $0x1082;
	[sflag:s4] =	ssyncset.s32 $0xFFFFF086  }
0x25: {  	[simem:s6], [sflag:s4] =	dma.local [hbm:s3], $0xF7A  }
0x26: {  	[smem:$0x3F9F] =	sst s1;
	(tag) =	ssettag s2;
	_ =	strace s9  }
0x27: {  	s1 =	sld [smem:$0x3FAF]  }
0x28: {  	s2 =	sld [smem:$0x3FB0]  }
0x29: {  	s4 =	sld [smem:$0x3FB2]  }
0x2a: {  	p0 =	seq.s32 s5, $0x0;
	s5 =	sld [smem:$0x3FB3]  }
0x2b: {  	s6 =	sld [smem:$0x3FB4]  }
0x2c: {  	s7 =	sld [smem:$0x3FB5]  }
0x2d: {  	s3 =	simm.s32 $0x108;
	s8 =	sld [smem:$0x3FB6]  }
0x2e: {  	s3 =	simm.s32 @!p0 $0x1082;
	s9 =	sld [smem:$0x3FB7]  }
0x2f: {  	lr =	sadd.s32 s0, s3;
	s0 =	sld [smem:$0x3FAE]  }
0x30: {  	s3 =	sld [smem:$0x3FB1]  }
0x31: {  	[smem:$0x3FBA] =	sst s10  }
0x32: {  	s10 =	sld [smem:$0x3FB8];
	_ =	sdelay $0x3  }
0x33: {  	p0 =	seq.s32 s10, $0x1;
	s10 =	sld [smem:$0x3FBA];
	_ =	sdelay $0x3  }
0x34: {  	[smem:$0x3FBA] =	sst s10  }
0x35: {  	s10 =	sld [smem:$0x3FB9];
	_ =	sdelay $0x3  }
0x36: {  	p1 =	seq.s32 s10, $0x1;
	s10 =	sld [smem:$0x3FBA];
	_ =	sdelay $0x3  }
0x37: {  	[smem:$0x3FBA] =	sst s10  }
0x38: {  	s10 =	sld [smem:$0x3FBB]  }
0x39: {  	_ = 	snop;
	(pc) =	sbr.ind lr, $3  }
0x3a: {  	_ = 	snop  }
0x3b: {  	_ = 	snop  }
0x3c: {  	p2 =	seq.s32 s10, $0x1;
	s10 =	sld [smem:$0x3FBA]  }
0x3d: {  	_ =	shalt  }
0x3e: {  	_ =	shalt  }
0x3f: {  	_ =	shalt  }
0x40: {  	_ =	shalt  }
0x41: {  	_ =	shalt  }
0x42: {  	_ =	shalt  }
0x43: {  	_ =	shalt  }
0x44: {  	_ =	shalt  }
0x45: {  	_ =	shalt  }
0x46: {  	_ =	shalt  }
0x47: {  	_ =	shalt  }
0x48: {  	_ =	shalt  }
0x49: {  	_ =	shalt  }
0x4a: {  	_ =	shalt  }
0x4b: {  	_ =	shalt  }
0x4c: {  	_ =	shalt  }
0x4d: {  	_ =	shalt  }
0x4e: {  	_ =	shalt  }
0x4f: {  	_ =	shalt  }
0x50: {  	_ =	shalt  }
0x51: {  	_ =	shalt  }
0x52: {  	_ =	shalt  }
0x53: {  	_ =	shalt  }
0x54: {  	_ =	shalt  }
0x55: {  	_ =	shalt  }
0x56: {  	_ =	shalt  }
0x57: {  	_ =	shalt  }
0x58: {  	_ =	shalt  }
0x59: {  	_ =	shalt  }
0x5a: {  	_ =	shalt  }
0x5b: {  	_ =	shalt  }
0x5c: {  	_ =	shalt  }
0x5d: {  	_ =	shalt  }
0x5e: {  	_ =	shalt  }
0x5f: {  	_ =	shalt  }
0x60: {  	_ =	shalt  }
0x61: {  	_ =	shalt  }
0x62: {  	_ =	shalt  }
0x63: {  	_ =	shalt  }
0x64: {  	_ =	shalt  }
0x65: {  	_ =	shalt  }
0x66: {  	_ =	shalt  }
0x67: {  	_ =	shalt  }
0x68: {  	_ =	shalt  }
0x69: {  	_ =	shalt  }
0x6a: {  	_ =	shalt  }
0x6b: {  	_ =	shalt  }
0x6c: {  	_ =	shalt  }
0x6d: {  	_ =	shalt  }
0x6e: {  	_ =	shalt  }
0x6f: {  	_ =	shalt  }
0x70: {  	_ =	shalt  }
0x71: {  	_ =	shalt  }
0x72: {  	_ =	shalt  }
0x73: {  	_ =	shalt  }
0x74: {  	_ =	shalt  }
0x75: {  	_ =	shalt  }
0x76: {  	_ =	shalt  }
0x77: {  	_ =	shalt  }
0x78: {  	_ =	shalt  }
0x79: {  	_ =	shalt  }
0x7a: {  	_ =	shalt  }
0x7b: {  	_ =	shalt  }
0x7c: {  	_ =	shalt  }
0x7d: {  	_ =	shalt  }
0x7e: {  	_ =	shalt  }
0x7f: {  	_ =	shalt  }
0x80: {  	_ =	shalt  }
0x81: {  	_ =	shalt  }
0x82: {  	_ =	shalt  }
0x83: {  	_ =	shalt  }
0x84: {  	_ =	shalt  }
0x85: {  	_ =	shalt  }
0x86: {  	_ =	shalt  }
0x87: {  	_ =	shalt  }
.Lfunc_end0:
.L_simem_size_0:
called_computation_lowered:
.L_overlay_start_0:
0x88: {  	s2 =	sld [smem:$0x3FD9]  }
0x89: {  	s3 =	sld [smem:$0x3FFE];
	_ =	sdelay $0x1  }
0x8a: {  	s1 =	srdreg.scid  }
0x8b: {  	s0 =	sand.u32 $0x1, s1  }
0x8c: {  	s16 =	sshll.u32 s0, $0xA;
	s2 =	sadd.s32 s3, s2  }
0x8d: {  	s2 =	sadd.s32 s2, s16  }
0x8e: {  	[smem:$0x3FC6] =	sst s2  }
0x8f: {  	_ = 	snop  }
0x90: {  	(tm) =	ssettm $0x1  }
0x91: {  	s17 =	sld [smem:$0x3FFB];
	_ =	sdelay $0x3  }
0x92: {  	_ =	strace s17  }
0x93: {  	s2 =	sld [smem:$0x3FFC];
	_ =	sdelay $0x3  }
0x94: {  	_ =	strace s2  }
0x95: {  	s2 =	sld [smem:$0x3FFD];
	_ =	sdelay $0x3  }
0x96: {  	_ =	strace s2  }
0x97: {  	_ =	strace $0x8FFFFFFF  }
0x98: {  	s18 =	sld [smem:$0x3FDB];
	_ =	sdelay $0x1  }
0x99: {  	s19 =	simm.s32 $_scs_section_size  }
0x9a: {  	s4 =	simm.s32 $_size__tile_overlayer_lowered;
	s5 =	simm.s32 $_tile_overlayer_lowered  }
0x9b: {  	s22 =	simm.s32 $0x1BFF;
	s21 =	sshll.u32 s5, $0x1;
	s2 =	sadd.s32 s19, s18  }
0x9c: {  	s6 =	simm.s32 $0x0;
	s20 =	sshll.u32 s4, $0x1;
	s4 =	sadd.s32 s21, s2  }
0x9d: {  	[timem:s6], [sflag:s22] =	dma.local [hbm:s4], s20  }
0x9e: {  	_ =	swait.ge [sflag:s22], s20  }
0x9f: {  	s3 =	ssub.s32 $0x0, s20;
	[sflag:s22] =	ssyncset.done $0x0  }
0xa0: {  	[sflag:s22] =	ssyncadd.s32 s3;
	_ =	sdelay $0x1  }
0xa1: {  	s23 =	simm.s32 $0x1B8B  }
0xa2: {  	_ =	swait.ge [sflag:s23], $0x1  }
0xa3: {  	[sflag:s23] =	ssyncset.done $0x0  }
0xa4: {  	s25 =	simm.s32 $0x1B8E;
	s24 =	sld [smem:$0x3FFE];
	[sflag:s23] =	ssyncadd.s32 $0xFFFFFFFF  }
0xa5: {  	s26 =	simm.s32 $execute0_lowered;
	[smem:$0x3FD2] =	sst s25  }
0xa6: {  	s4 =	sshll.u32 s26, $0x1;
	_ =	strace $0x80000046;
	[dreg:$0x1] =	wrdreg $0xFFFFFFFF  }
0xa7: {  	s28 =	simm.s32 $_size_execute0_lowered;
	s2 =	sadd.s32 s2, s4;
	[dreg:$0x0] =	wrdreg $0x0  }
0xa8: {  	s4 =	sshll.u32 s28, $0x1;
	[dreg:$0x2] =	wrdreg s2  }
0xa9: {  	[dreg:$0x3] =	wrdreg s4  }
0xaa: {  	[dreg:$0x4] =	wrdreg $0xC0  }
0xab: {  	_ =	task [dreg:s6], $0x5FFFF  }
0xac: {  	[dreg:$0x1] =	wrdreg $0xFFFFFFFF  }
0xad: {  	[dreg:$0x0] =	wrdreg $0x60  }
0xae: {  	[dreg:$0x2] =	wrdreg s24  }
0xaf: {  	[dreg:$0x3] =	wrdreg $0x9  }
0xb0: {  	_ =	task.clear_ibuf [dreg:s6], $0x4FFFF;
	_ =	strace $0x90000046  }
0xb1: {  	s29 =	simm.s32 $0x9;
	_ =	strace $0x80000048  }
0xb2: {  	_ =	swait.ge [sflag:s29], $0x1  }
0xb3: {  	[sflag:s29] =	ssyncadd.s32 $0xFFFFFFFF  }
0xb4: {  	_ =	strace $0x90000048  }
0xb5: {  	_ =	sfence  }
0xb6: {  	s30 =	sld [smem:$0x0];
	_ =	sdelay $0x2  }
0xb7: {  	s31 =	sshll.u32 s1, $0xD;
	s1 =	sshrl.u32 s1, $0x2  }
0xb8: {  	s3 =	sand.u32 $0x4000, s31;
	s1 =	sadd.s32 s1, s30  }
0xb9: {  	s0 =	sor.u32 s3, s0;
	s1 =	sshll.u32 s1, $0x11  }
0xba: {  	s0 =	sor.u32 s1, s0  }
0xbb: {  	s0 =	sadd.s32 $0x8F2B, s0  }
0xbc: {  	[sflag:s0] =	ssyncadd.remote.s32 $0x1  }
0xbd: {  	_ =	sfence.sel $0xFFFF  }
0xbe: {  	[dreg:$0x0] =	wrdreg $0xFFFFFFFF;
	(pc) =	sbr.abs _section_cstart, $3  }
0xbf: {  	[dreg:$0x1] =	wrdreg $0xFFFFFFFF  }
0xc0: {  	_ =	task.clear_ibuf [dreg:s6], $0x2FFFF;
	_ =	strace $0x9FFFFFFF  }
0xc1: {  	(tm) =	ssettm $0x7FFFFFFF  }
tec
execute0_lowered:
.L_overlay_start_1:
0x0: {  	(tag) =	ssettag $0x1  }
0x1: {  	s1 =	srdreg.scid  }
0x2: {  	s0 =	stileid.u32;
	s4 =	rddreg [dreg:$0x0];
	s2 =	simm.s32 $0x0  }
0x3: {  	s14 =	simm.s32 $0x1;
	s15 =	simm.s32 $0x2;
	s16 =	simm.s32 $0x60E0  }
0x4: {  	s17 =	simm.s32 $0x0;
	s6 =	sand.u32 $0x1, s1;
	s10 =	smul.u32 $0xC800, s0  }
0x5: {  	s28 =	sshll.u32 s0, $0x1;
	s1 =	rddreg [dreg:$0x1];
	s12 =	smul.u32 $0x64000, s0  }
0x6: {  	[smem:$0x7FF] =	sst s2;
	s3 =	sadd.s32 $0xF42A00, s4;
	s11 =	smul.u32 $0x6400, s6  }
0x7: {  	s9 =	sadd.s32 $0x19600, s4;
	s5 =	sor.u32 s6, s28;
	s13 =	smul.u32 $0x32000, s6  }
0x8: {  	_ =	strace $0x80000047;
	s8 =	ssub.s32 $0x2, s6;
	s7 =	smul.u32 $0x6400, s5  }
0x9: {  	s5 =	smul.u32 $0x190000, s5;
	s29 =	sshrl.u32 s8, $0x1;
	s31 =	sadd.s32 s12, s9  }
0xa: {  	s12 =	simm.s32 $0x6400;
	s8 =	ssub.s32 s8, s29;
	s10 =	sadd.s32 s11, s10  }
0xb: {  	s11 =	simm.s32 $0x320;
	s7 =	sshrl.u32 s7, $0x3;
	s5 =	sshrl.u32 s5, $0x3  }
0xc: {  	s10 =	sshll.u32 s10, $0x3;
	s7 =	sadd.s32 s7, s4;
	s30 =	sadd.s32 s9, s5  }
0xd: {  	s9 =	sadd.s32 s10, s9;
	s10 =	simm.s32 $0x3;
	s4 =	sadd.s32 $0x600, s7  }
0xe: {  	s5 =	sadd.s32 $0x2EE00, s30;
	s6 =	sadd.s32 $0x30700, s30;
	s7 =	smax.u32 s8, $0x1  }
0xf: {  	s8 =	sadd.s32 s13, s31;
	s9 =	sadd.s32 $0x1900, s9;
	s13 =	simm.s32 $0x12C00  }
.LBB2_1:
0x10: {  	[tilespmem:s2], [sflag:$0x3] =	stream.linear.gather [hbm4b:s4+s2], $0x6400, $0x38;
	[tilespmem:$0x1F400] =	vst v63  }
0x11: {  	_ =	swait.ge [sflag:s10], $0x6400  }
0x12: {  	[sflag:s10] =	ssyncset.done $0x0  }
0x13: {  	[sflag:s10] =	ssyncadd.s32 $0xFFFF9C00  }
0x14: {  	[tilespmem:s12], [sflag:$0x1] =	stream.indirect.gather [hbm4b:s3+s11], $0x40, s2, s11, $0xb8;
	[tilespmem:$0x1F400] =	vst v63  }
0x15: {  	s18 =	simm.s32 $0x320  }
0x16: {  	[tilespmem:s13], [sflag:$0x2] =	stream.indirect.gather [hbm4b:s3+s11], $0x40, s18, s11, $0xb8;
	[tilespmem:$0x1F400] =	vst v63  }
0x17: {  	_ =	swait.ge [sflag:s14], $0xC800  }
0x18: {  	[sflag:s14] =	ssyncset.done $0x0  }
0x19: {  	s29 =	sadd.s32 $0x0, s8;
	[sflag:s14] =	ssyncadd.s32 $0xFFFF3800  }
0x1a: {  	[hbm4b:s29+s2] =	stream.linear.scatter [tilespmem:s12], [sflag:$0x3], $0xC800, $0x38;
	[tilespmem:$0x1F400] =	vst v63  }
0x1b: {  	_ =	swait.ge [sflag:s10], $0xC800  }
0x1c: {  	[sflag:s10] =	ssyncset.done $0x0  }
0x1d: {  	s30 =	simm.s32 $0x640;
	[sflag:s10] =	ssyncadd.s32 $0xFFFF3800  }
0x1e: {  	[tilespmem:s12], [sflag:$0x1] =	stream.indirect.gather [hbm4b:s3+s11], $0x40, s30, s11, $0xb8;
	[tilespmem:$0x1F400] =	vst v63  }
0x1f: {  	_ =	swait.ge [sflag:s15], $0xC800  }
0x20: {  	[sflag:s15] =	ssyncset.done $0x0  }
0x21: {  	s31 =	sadd.s32 $0x0, s9;
	[sflag:s15] =	ssyncadd.s32 $0xFFFF3800  }
0x22: {  	[hbm4b:s31+s2] =	stream.linear.scatter [tilespmem:s13], [sflag:$0x3], $0xC800, $0x38;
	[tilespmem:$0x1F400] =	vst v63  }
0x23: {  	s20 =	simm.s32 $0x6400;
	_ =	swait.ge [sflag:s10], $0xC800  }
0x24: {  	s19 =	simm.s32 $0xC80;
	s18 =	simm.s32 $0x3200;
	[sflag:s10] =	ssyncset.done $0x0  }
.LBB2_2:
0x25: {  	p0 =	sne.s32 s20, $0x2BC00;
	s21 =	sadd.s32 $0xFFFFFCE0, s19;
	[sflag:s10] =	ssyncadd.s32 $0xFFFF3800  }
0x26: {  	[tilespmem:s13], [sflag:$0x2] =	stream.indirect.gather [hbm4b:s3+s11], $0x40, s21, s11, $0xb8;
	[tilespmem:$0x1F400] =	vst v63  }
0x27: {  	s21 =	smov.u32 s20;
	s20 =	sadd.s32 $0x3200, s20;
	_ =	swait.ge [sflag:s14], $0xC800  }
0x28: {  	[sflag:s14] =	ssyncset.done $0x0  }
0x29: {  	s22 =	sadd.s32 s18, s8;
	[sflag:s14] =	ssyncadd.s32 $0xFFFF3800  }
0x2a: {  	[hbm4b:s22+s2] =	stream.linear.scatter [tilespmem:s12], [sflag:$0x3], $0xC800, $0x38;
	[tilespmem:$0x1F400] =	vst v63  }
0x2b: {  	_ =	swait.ge [sflag:s10], $0xC800  }
0x2c: {  	[sflag:s10] =	ssyncset.done $0x0  }
0x2d: {  	[sflag:s10] =	ssyncadd.s32 $0xFFFF3800  }
0x2e: {  	[tilespmem:s12], [sflag:$0x1] =	stream.indirect.gather [hbm4b:s3+s11], $0x40, s19, s11, $0xb8;
	[tilespmem:$0x1F400] =	vst v63  }
0x2f: {  	_ =	swait.ge [sflag:s15], $0xC800  }
.Ltmp0:
0x30: {  	[sflag:s15] =	ssyncset.done $0x0;
	(pc) =	sbr.rel @p0 .LBB2_2-.Ltmp0, $4  }
0x31: {  	s22 =	sadd.s32 s18, s9;
	s18 =	smov.u32 s21;
	[sflag:s15] =	ssyncadd.s32 $0xFFFF3800  }
0x32: {  	[hbm4b:s22+s2] =	stream.linear.scatter [tilespmem:s13], [sflag:$0x3], $0xC800, $0x38;
	[tilespmem:$0x1F400] =	vst v63  }
0x33: {  	_ =	swait.ge [sflag:s10], $0xC800  }
0x34: {  	s19 =	sadd.s32 $0x640, s19;
	[sflag:s10] =	ssyncset.done $0x0  }
0x35: {  	s20 =	sadd.s32 $0xFFFFFCE0, s19;
	[sflag:s10] =	ssyncadd.s32 $0xFFFF3800  }
0x36: {  	[tilespmem:s13], [sflag:$0x2] =	stream.indirect.gather [hbm4b:s3+s11], $0x40, s20, s11, $0xb8;
	[tilespmem:$0x1F400] =	vst v63  }
0x37: {  	_ =	swait.ge [sflag:s14], $0xC800  }
0x38: {  	[sflag:s14] =	ssyncset.done $0x0  }
0x39: {  	s30 =	sadd.s32 s18, s8;
	[sflag:s14] =	ssyncadd.s32 $0xFFFF3800  }
0x3a: {  	[hbm4b:s30+s2] =	stream.linear.scatter [tilespmem:s12], [sflag:$0x3], $0xC800, $0x38;
	[tilespmem:$0x1F400] =	vst v63  }
0x3b: {  	_ =	swait.ge [sflag:s10], $0xC800  }
0x3c: {  	[sflag:s10] =	ssyncset.done $0x0  }
0x3d: {  	[sflag:s10] =	ssyncadd.s32 $0xFFFF3800  }
0x3e: {  	[tilespmem:s12], [sflag:$0x1] =	stream.indirect.gather [hbm4b:s3+s11], $0x40, s19, s11, $0xb8;
	[tilespmem:$0x1F400] =	vst v63  }
0x3f: {  	_ =	swait.ge [sflag:s15], $0xC800  }
0x40: {  	[sflag:s15] =	ssyncset.done $0x0  }
0x41: {  	s31 =	sadd.s32 s18, s9;
	[sflag:s15] =	ssyncadd.s32 $0xFFFF3800  }
0x42: {  	[hbm4b:s31+s2] =	stream.linear.scatter [tilespmem:s13], [sflag:$0x3], $0xC800, $0x38;
	[tilespmem:$0x1F400] =	vst v63  }
0x43: {  	_ =	swait.ge [sflag:s10], $0xC800  }
0x44: {  	[sflag:s10] =	ssyncset.done $0x0  }
0x45: {  	[sflag:s10] =	ssyncadd.s32 $0xFFFF3800  }
0x46: {  	[tilespmem:s13], [sflag:$0x2] =	stream.indirect.gather [hbm4b:s3+s11], $0x40, s16, s11, $0xb8;
	[tilespmem:$0x1F400] =	vst v63  }
0x47: {  	_ =	swait.ge [sflag:s14], $0xC800  }
0x48: {  	[sflag:s14] =	ssyncset.done $0x0  }
0x49: {  	[sflag:s14] =	ssyncadd.s32 $0xFFFF3800  }
0x4a: {  	[hbm4b:s5+s2] =	stream.linear.scatter [tilespmem:s12], [sflag:$0x3], $0xC800, $0x38;
	[tilespmem:$0x1F400] =	vst v63  }
0x4b: {  	_ =	swait.ge [sflag:s10], $0xC800  }
0x4c: {  	[sflag:s10] =	ssyncset.done $0x0  }
0x4d: {  	[sflag:s10] =	ssyncadd.s32 $0xFFFF3800  }
0x4e: {  	s17 =	sadd.s32 $0x1, s17;
	_ =	swait.ge [sflag:s15], $0xC800  }
0x4f: {  	p0 =	sne.s32 s17, s7;
	[sflag:s15] =	ssyncset.done $0x0  }
.Ltmp1:
0x50: {  	[sflag:s15] =	ssyncadd.s32 $0xFFFF3800;
	(pc) =	sbr.rel @p0 .LBB2_1-.Ltmp1, $4  }
0x51: {  	[hbm4b:s6+s2] =	stream.linear.scatter [tilespmem:s13], [sflag:$0x3], $0xC800, $0x38;
	[tilespmem:$0x1F400] =	vst v63  }
0x52: {  	_ =	swait.ge [sflag:s10], $0xC800  }
0x53: {  	[sflag:s10] =	ssyncset.done $0x0  }
0x54: {  	[sflag:s10] =	ssyncadd.s32 $0xFFFF3800  }
0x55: {  	_ =	sfence.sel $0x180000  }
0x56: {  	[bflag:$0x0] =	sbarrier.arrive $0xFFFF  }
0x57: {  	p0 =	sne.s32 s0, $0x0;
	_ =	strace $0x90000047  }
0x58: {  	s0 =	sadd.s32 @!p0 $0x100000, s1;
	[bflag:$0x2] =	sbarrier.arrive $0xFFFF  }
0x59: {  	[sflag:s0] =	ssyncadd.tile.s32 @!p0 $0x1;
	_ =	shalt  }
.Lfunc_end2:
_tile_overlayer_lowered:
.L_overlay_start_2:
0x5a: {  	(tag) =	ssettag $0x2  }
0x5b: {  	s0 =	rddreg [dreg:$0x0];
	s2 =	stileid.u32  }
0x5c: {  	s1 =	rddreg [dreg:$0x1];
	p0 =	sne.s32 s2, $0x0  }
0x5d: {  	s3 =	rddreg [dreg:$0x2];
	[bflag:$0x3] =	sbarrier.arrive $0xFFFF;
	s2 =	simm.s32 @!p0 $0x1C03  }
0x5e: {  	[timem:s3], [sflag:s2] =	dma.local @!p0 [hbm:s0], s1  }
0x5f: {  	s0 =	simm.s32 @!p0 $0x3  }
0x60: {  	_ =	swait.ge @!p0 [sflag:s0], s1  }
0x61: {  	s1 =	ssub.s32 @!p0 $0x0, s1;
	[sflag:s0] =	ssyncset.done @!p0 $0x0  }
0x62: {  	[sflag:s0] =	ssyncadd.s32 @!p0 s1  }
0x63: {  	[bflag:$0x3] =	sbarrier.arrive $0xFFFF  }
0x64: {  	_ =	shalt  }

</sc_bundles>
